<compile_context>
chip_gen: v7x
topology: tpu7x:2x2x1
jax: 0.10.2.dev20260603
libtpu: 0.0.44.dev20260713+nightly
codegen_flags: <defaults>
</compile_context>

<pallas_src>
import jax
import jax.numpy as jnp
from jax import lax
from jax.experimental import pallas as pl
from jax.experimental.pallas import tpu as pltpu
from jax.experimental.pallas import tpu_sc as plsc

_NV = 10000
_NC = 42000
_K = 3
_B = 128

_NSUB = 16
_CPT = 2640
_NCP = _NSUB * _CPT
_STEPS = _CPT // 16
_PAD = _NCP - _NC
_BUFW = _K * _CPT

_SIGN = -2**31
_IMASK = 0x7FFFFFFF
_BIG = 1.7e38


def _sat_body(x_hbm, pk_hbm, out_hbm,
              x_v, buf_v, acc_v, shared, red_v, out_v, sem1, sem2):
    s = lax.axis_index("s")

    cp1 = pltpu.async_copy(x_hbm, x_v, sem1)
    cp2 = pltpu.async_copy(pk_hbm.at[pl.ds(s * _BUFW, _BUFW)], buf_v, sem2)
    cp1.wait()
    cp2.wait()

    def body(t, acc):
        off = t * 16
        pre = jnp.full((16,), float(_K - 1), dtype=jnp.float32)
        for j in range(_K):
            pk = buf_v[pl.ds(j * _CPT + off, 16)]
            v = plsc.load_gather(x_v, [pk & jnp.int32(_IMASK)])
            xv = plsc.bitcast(
                plsc.bitcast(v, jnp.int32) ^ (pk & jnp.int32(_SIGN)),
                jnp.float32)
            t_j = jnp.minimum(jnp.maximum(xv * _BIG * _BIG, -1.0), 1.0)
            pre = pre + t_j
        return acc + jnp.minimum(pre, 1.0)

    acc = lax.fori_loop(0, _STEPS, body, jnp.zeros((16,), jnp.float32))

    acc_v[...] = acc
    pltpu.sync_copy(acc_v, shared.at[s])
    plsc.subcore_barrier()

    @pl.when(s == 0)
    def _():
        pltpu.sync_copy(shared, red_v)
        tot = jnp.zeros((16,), jnp.float32)
        for si in range(_NSUB):
            tot = tot + red_v[si]
        total = jnp.sum(tot)
        thresh = float(_PAD + _NC - 1)
        outvec = jnp.sign(jnp.broadcast_to(total - thresh, (16,)))
        for k in range(_B // 16):
            out_v[pl.ds(k * 16, 16)] = outvec
        pltpu.sync_copy(out_v, out_hbm)


def kernel(input, emb_weight, or_weight, clause_idx):
    del input
    x_flat = emb_weight.reshape(-1)
    packed = (clause_idx
              | (lax.bitcast_convert_type(or_weight, jnp.int32)
                 & jnp.int32(_SIGN)))
    pad_row = jnp.array([[0, _SIGN, 0]], dtype=jnp.int32)
    packed = jnp.concatenate(
        [packed, jnp.broadcast_to(pad_row, (_PAD, _K))], axis=0)
    buf = packed.reshape(_NSUB, _CPT, _K).transpose(0, 2, 1).reshape(-1)

    mesh = plsc.VectorSubcoreMesh(
        core_axis_name="c", subcore_axis_name="s", num_cores=1)
    f = pl.kernel(
        _sat_body,
        mesh=mesh,
        out_type=jax.ShapeDtypeStruct((_B,), jnp.float32),
        compiler_params=pltpu.CompilerParams(needs_layout_passes=False),
        scratch_types=[
            pltpu.VMEM((_NV,), jnp.float32),
            pltpu.VMEM((_BUFW,), jnp.int32),
            pltpu.VMEM((16,), jnp.float32),
            pltpu.VMEM_SHARED((_NSUB, 16), jnp.float32),
            pltpu.VMEM((_NSUB, 16), jnp.float32),
            pltpu.VMEM((_B,), jnp.float32),
            pltpu.SemaphoreType.DMA,
            pltpu.SemaphoreType.DMA,
        ],
    )
    return f(x_flat, buf)

# --- scband reference (transcript-rebuilt; emitter-appended) ---
"""Pipeline reference for scband-circuit-32693291057891 (READ-ONLY COPY).

The authoritative reference and input builder live on the scoring server;
editing this copy changes nothing except your own understanding.
"""

import jax, jax.numpy as jnp
import numpy as np

NV = 10000   # number of boolean variables (problems.nv)
NC = 42000   # number of clauses (ratio ~4.2 for random 3-SAT)
K = 3        # literals per clause
B = 128      # batch of assignments (all index 0 into the single-row embedding)

# Sgn: sign activation with straight-through estimator (custom autograd fn in torch)
@jax.custom_vjp
def sgn(x):
    return jnp.sign(x)

def _sgn_fwd(x):
    return jnp.sign(x), x

def _sgn_bwd(res, g):
    x = res
    return (g * (jnp.abs(x) <= 1.0).astype(g.dtype),)

sgn.defvjp(_sgn_fwd, _sgn_bwd)


def setup_inputs(seed: int = 0) -> dict:
    key = jax.random.key(seed)
    k1, k2, k3 = jax.random.split(key, 3)
    # forward input: indices into nn.Embedding(1, nv) -> must all be 0
    inp = jnp.zeros((B,), dtype=jnp.int32)
    # EMB weight [1, NV]; first 4 entries hard-set as in __init__
    emb_weight = jax.random.normal(k1, (1, NV), dtype=jnp.float32)
    emb_weight = emb_weight.at[0, 0].set(1.0).at[0, 1].set(-1.0)
    emb_weight = emb_weight.at[0, 2].set(-1.0).at[0, 3].set(1.0)
    # clauses: idx[i,j] = abs(literal)-1 ; sign = sign(literal)
    clause_idx = jax.random.randint(k2, (NC, K), 0, NV, dtype=jnp.int32)
    lit_sign = jnp.where(jax.random.bernoulli(k3, 0.5, (NC, K)), 1.0, -1.0).astype(jnp.float32)
    # OR layer dense weights: init ones, multiplied in-place by literal signs
    or_weight = jnp.ones((NC, K), dtype=jnp.float32) * lit_sign
    return {"input": inp, "emb_weight": emb_weight, "or_weight": or_weight, "clause_idx": clause_idx}


def reference(input, emb_weight, or_weight, clause_idx):
    # EMB: embedding lookup then sign activation -> +/-1 variable assignment [B, NV]
    x = sgn(jnp.take(emb_weight, input, axis=0))
    # per-clause gather of literal variables: x[:, idx] -> [B, NC, K]
    gathered = x[:, clause_idx]
    # OR gate over +/-1 inputs: sign(sum_j w_j * x_j + (K-1)); w_j = literal sign
    clause_pre = jnp.sum(or_weight[None, :, :] * gathered, axis=-1) + (K - 1)
    intermediate_out = sgn(clause_pre)  # [B, NC]
    # AND gate over all clauses: sign(sum_i c_i - (NC-1)) -> [B]
    out = sgn(jnp.sum(intermediate_out, axis=-1) - (NC - 1))
    return out

if __name__ == "__main__":
    import jax
    _d = setup_inputs()
    print(jax.jit(kernel)(*tuple(_d.values())))

</pallas_src>

<mosaic_0001>
#map = affine_map<(d0, d1) -> (0)>
module attributes {stable_mosaic.version = 14 : i64} {
  func.func @_sat_body(%arg0: i32, %arg1: i32, %arg2: memref<10000xf32, #tpu.memory_space<hbm>>, %arg3: memref<126720xi32, #tpu.memory_space<hbm>>, %arg4: memref<128xf32, #tpu.memory_space<hbm>>, %arg5: memref<10000xf32, #tpu.memory_space<vmem>>, %arg6: memref<7920xi32, #tpu.memory_space<vmem>>, %arg7: memref<16xf32, #tpu.memory_space<vmem>>, %arg8: memref<16x16xf32, #tpu.memory_space<vmem_shared>>, %arg9: memref<16x16xf32, #tpu.memory_space<vmem>>, %arg10: memref<128xf32, #tpu.memory_space<vmem>>, %arg11: memref<!tpu.dma_semaphore, #tpu.memory_space<semaphore_mem>>, %arg12: memref<!tpu.dma_semaphore, #tpu.memory_space<semaphore_mem>>) attributes {dimension_semantics = [#tpu.dimension_semantics<core_parallel>, #tpu.dimension_semantics<subcore_parallel>], iteration_bounds = array<i64: 1, 16>, scalar_prefetch = 0 : i64, scratch_operands = 8 : i64, tpu.core_type = #tpu.core_type<sc_vector_subcore>, window_params = [{transform_indices = #map}, {transform_indices = #map}, {transform_indices = #map}]} {
    tpu.enqueue_dma source(%arg2 : memref<10000xf32, #tpu.memory_space<hbm>>) target(%arg5 : memref<10000xf32, #tpu.memory_space<vmem>>) target_semaphore(%arg11 : memref<!tpu.dma_semaphore, #tpu.memory_space<semaphore_mem>>)
    %mul3A = arith.constant 7920 : i32
    %mul3A_0 = arith.muli %arg1, %mul3A : i32
    %dma_start3A = tpu.memref_slice %arg3[%mul3A_0] : memref<126720xi32, #tpu.memory_space<hbm>> -> memref<7920xi32, #tpu.memory_space<hbm>>
    %dma_start3A_1 = tpu.memref_slice %arg3[%mul3A_0] : memref<126720xi32, #tpu.memory_space<hbm>> -> memref<7920xi32, #tpu.memory_space<hbm>>
    tpu.enqueue_dma source(%dma_start3A_1 : memref<7920xi32, #tpu.memory_space<hbm>>) target(%arg6 : memref<7920xi32, #tpu.memory_space<vmem>>) target_semaphore(%arg12 : memref<!tpu.dma_semaphore, #tpu.memory_space<semaphore_mem>>)
    tpu.wait_dma2 semaphore(%arg11 : memref<!tpu.dma_semaphore, #tpu.memory_space<semaphore_mem>>) src(%arg2 : memref<10000xf32, #tpu.memory_space<hbm>>) dst(%arg5 : memref<10000xf32, #tpu.memory_space<vmem>>)
    %dma_wait3A = tpu.memref_slice %arg3[%mul3A_0] : memref<126720xi32, #tpu.memory_space<hbm>> -> memref<7920xi32, #tpu.memory_space<hbm>>
    %dma_wait3A_2 = tpu.memref_slice %arg3[%mul3A_0] : memref<126720xi32, #tpu.memory_space<hbm>> -> memref<7920xi32, #tpu.memory_space<hbm>>
    tpu.wait_dma2 semaphore(%arg12 : memref<!tpu.dma_semaphore, #tpu.memory_space<semaphore_mem>>) src(%dma_wait3A_2 : memref<7920xi32, #tpu.memory_space<hbm>>) dst(%arg6 : memref<7920xi32, #tpu.memory_space<vmem>>)
    %broadcast_in_dim3A = arith.constant 0.000000e+00 : f32
    %broadcast_in_dim3A_3 = vector.broadcast %broadcast_in_dim3A : f32 to vector<16xf32>
    %scan3A = arith.constant 0 : i32
    %scan3A_4 = arith.constant 165 : i32
    %scan3A_5 = arith.addi %scan3A, %scan3A_4 : i32
    %scan3A_6 = arith.constant 1 : i32
    %scan3A_7 = scf.for %scan3A_12 = %scan3A to %scan3A_5 step %scan3A_6 iter_args(%scan3A_13 = %broadcast_in_dim3A_3) -> (vector<16xf32>)  : i32 {
      %mul3A_14 = arith.constant 16 : i32
      %mul3A_15 = arith.muli %scan3A_12, %mul3A_14 : i32
      %broadcast_in_dim3A_16 = arith.constant 2.000000e+00 : f32
      %broadcast_in_dim3A_17 = vector.broadcast %broadcast_in_dim3A_16 : f32 to vector<16xf32>
      %add3A = arith.constant 0 : i32
      %add3A_18 = arith.addi %add3A, %mul3A_15 : i32
      %get3A = arith.index_cast %add3A_18 : i32 to index
      %get3A_19 = tpu.vector_load %arg6[%get3A] {strides = array<i32>} : memref<7920xi32, #tpu.memory_space<vmem>>, vector<16xi32>,
      %and3A = arith.constant 2147483647 : i32
      %and3A_20 = vector.broadcast %and3A : i32 to vector<16xi32>
      %and3A_21 = arith.andi %get3A_19, %and3A_20 : vector<16xi32>
      %gather3A = tpu.vector_load_idx %arg5[%and3A_21] : memref<10000xf32, #tpu.memory_space<vmem>>[vector<16xi32>], vector<16xf32>,
      %bitcast3A = vector.bitcast %gather3A : vector<16xf32> to vector<16xi32>
      %and3A_22 = arith.constant -2147483648 : i32
      %and3A_23 = vector.broadcast %and3A_22 : i32 to vector<16xi32>
      %and3A_24 = arith.andi %get3A_19, %and3A_23 : vector<16xi32>
      %xor3A = arith.xori %bitcast3A, %and3A_24 : vector<16xi32>
      %bitcast3A_25 = vector.bitcast %xor3A : vector<16xi32> to vector<16xf32>
      %mul3A_26 = arith.constant 1.700000e+38 : f32
      %mul3A_27 = vector.broadcast %mul3A_26 : f32 to vector<16xf32>
      %mul3A_28 = arith.mulf %bitcast3A_25, %mul3A_27 : vector<16xf32>
      %mul3A_29 = arith.constant 1.700000e+38 : f32
      %mul3A_30 = vector.broadcast %mul3A_29 : f32 to vector<16xf32>
      %mul3A_31 = arith.mulf %mul3A_28, %mul3A_30 : vector<16xf32>
      %max3A = arith.constant -1.000000e+00 : f32
      %max3A_32 = vector.broadcast %max3A : f32 to vector<16xf32>
      %max3A_33 = arith.maximumf %mul3A_31, %max3A_32 : vector<16xf32>
      %min3A = arith.constant 1.000000e+00 : f32
      %min3A_34 = vector.broadcast %min3A : f32 to vector<16xf32>
      %min3A_35 = arith.minimumf %max3A_33, %min3A_34 : vector<16xf32>
      %add3A_36 = arith.addf %broadcast_in_dim3A_17, %min3A_35 : vector<16xf32>
      %add3A_37 = arith.constant 2640 : i32
      %add3A_38 = arith.addi %add3A_37, %mul3A_15 : i32
      %get3A_39 = arith.index_cast %add3A_38 : i32 to index
      %get3A_40 = tpu.vector_load %arg6[%get3A_39] {strides = array<i32>} : memref<7920xi32, #tpu.memory_space<vmem>>, vector<16xi32>,
      %and3A_41 = arith.constant 2147483647 : i32
      %and3A_42 = vector.broadcast %and3A_41 : i32 to vector<16xi32>
      %and3A_43 = arith.andi %get3A_40, %and3A_42 : vector<16xi32>
      %gather3A_44 = tpu.vector_load_idx %arg5[%and3A_43] : memref<10000xf32, #tpu.memory_space<vmem>>[vector<16xi32>], vector<16xf32>,
      %bitcast3A_45 = vector.bitcast %gather3A_44 : vector<16xf32> to vector<16xi32>
      %and3A_46 = arith.constant -2147483648 : i32
      %and3A_47 = vector.broadcast %and3A_46 : i32 to vector<16xi32>
      %and3A_48 = arith.andi %get3A_40, %and3A_47 : vector<16xi32>
      %xor3A_49 = arith.xori %bitcast3A_45, %and3A_48 : vector<16xi32>
      %bitcast3A_50 = vector.bitcast %xor3A_49 : vector<16xi32> to vector<16xf32>
      %mul3A_51 = arith.constant 1.700000e+38 : f32
      %mul3A_52 = vector.broadcast %mul3A_51 : f32 to vector<16xf32>
      %mul3A_53 = arith.mulf %bitcast3A_50, %mul3A_52 : vector<16xf32>
      %mul3A_54 = arith.constant 1.700000e+38 : f32
      %mul3A_55 = vector.broadcast %mul3A_54 : f32 to vector<16xf32>
      %mul3A_56 = arith.mulf %mul3A_53, %mul3A_55 : vector<16xf32>
      %max3A_57 = arith.constant -1.000000e+00 : f32
      %max3A_58 = vector.broadcast %max3A_57 : f32 to vector<16xf32>
      %max3A_59 = arith.maximumf %mul3A_56, %max3A_58 : vector<16xf32>
      %min3A_60 = arith.constant 1.000000e+00 : f32
      %min3A_61 = vector.broadcast %min3A_60 : f32 to vector<16xf32>
      %min3A_62 = arith.minimumf %max3A_59, %min3A_61 : vector<16xf32>
      %add3A_63 = arith.addf %add3A_36, %min3A_62 : vector<16xf32>
      %add3A_64 = arith.constant 5280 : i32
      %add3A_65 = arith.addi %add3A_64, %mul3A_15 : i32
      %get3A_66 = arith.index_cast %add3A_65 : i32 to index
      %get3A_67 = tpu.vector_load %arg6[%get3A_66] {strides = array<i32>} : memref<7920xi32, #tpu.memory_space<vmem>>, vector<16xi32>,
      %and3A_68 = arith.constant 2147483647 : i32
      %and3A_69 = vector.broadcast %and3A_68 : i32 to vector<16xi32>
      %and3A_70 = arith.andi %get3A_67, %and3A_69 : vector<16xi32>
      %gather3A_71 = tpu.vector_load_idx %arg5[%and3A_70] : memref<10000xf32, #tpu.memory_space<vmem>>[vector<16xi32>], vector<16xf32>,
      %bitcast3A_72 = vector.bitcast %gather3A_71 : vector<16xf32> to vector<16xi32>
      %and3A_73 = arith.constant -2147483648 : i32
      %and3A_74 = vector.broadcast %and3A_73 : i32 to vector<16xi32>
      %and3A_75 = arith.andi %get3A_67, %and3A_74 : vector<16xi32>
      %xor3A_76 = arith.xori %bitcast3A_72, %and3A_75 : vector<16xi32>
      %bitcast3A_77 = vector.bitcast %xor3A_76 : vector<16xi32> to vector<16xf32>
      %mul3A_78 = arith.constant 1.700000e+38 : f32
      %mul3A_79 = vector.broadcast %mul3A_78 : f32 to vector<16xf32>
      %mul3A_80 = arith.mulf %bitcast3A_77, %mul3A_79 : vector<16xf32>
      %mul3A_81 = arith.constant 1.700000e+38 : f32
      %mul3A_82 = vector.broadcast %mul3A_81 : f32 to vector<16xf32>
      %mul3A_83 = arith.mulf %mul3A_80, %mul3A_82 : vector<16xf32>
      %max3A_84 = arith.constant -1.000000e+00 : f32
      %max3A_85 = vector.broadcast %max3A_84 : f32 to vector<16xf32>
      %max3A_86 = arith.maximumf %mul3A_83, %max3A_85 : vector<16xf32>
      %min3A_87 = arith.constant 1.000000e+00 : f32
      %min3A_88 = vector.broadcast %min3A_87 : f32 to vector<16xf32>
      %min3A_89 = arith.minimumf %max3A_86, %min3A_88 : vector<16xf32>
      %add3A_90 = arith.addf %add3A_63, %min3A_89 : vector<16xf32>
      %min3A_91 = arith.constant 1.000000e+00 : f32
      %min3A_92 = vector.broadcast %min3A_91 : f32 to vector<16xf32>
      %min3A_93 = arith.minimumf %add3A_90, %min3A_92 : vector<16xf32>
      %add3A_94 = arith.addf %scan3A_13, %min3A_93 : vector<16xf32>
      scf.yield %add3A_94 : vector<16xf32>
    }
    %scan3A_8 = arith.constant 165 : i32
    %swap3A = arith.constant 0 : index
    %swap3A_9 = tpu.vector_load %arg7[%swap3A] {strides = array<i32>} : memref<16xf32, #tpu.memory_space<vmem>>, vector<16xf32>,
    tpu.vector_store %arg7[%swap3A], %scan3A_7 {strides = array<i32>} : memref<16xf32, #tpu.memory_space<vmem>>, vector<16xf32>,
    "tpu.region"() ({
      %run_scoped3A = tpu.sem_alloc : memref<!tpu.dma_semaphore, #tpu.memory_space<semaphore_mem>>
      %dma_start3A_12 = arith.constant 0 : i32
      %dma_start3A_13 = tpu.memref_slice %arg8[%arg1, %dma_start3A_12] : memref<16x16xf32, #tpu.memory_space<vmem_shared>> -> memref<1x16xf32, #tpu.memory_space<vmem_shared>>
      %dma_start3A_14 = tpu.memref_squeeze %dma_start3A_13 : memref<1x16xf32, #tpu.memory_space<vmem_shared>> -> memref<16xf32, #tpu.memory_space<vmem_shared>>
      %dma_start3A_15 = arith.constant 0 : i32
      %dma_start3A_16 = tpu.memref_slice %arg8[%arg1, %dma_start3A_15] : memref<16x16xf32, #tpu.memory_space<vmem_shared>> -> memref<1x16xf32, #tpu.memory_space<vmem_shared>>
      %dma_start3A_17 = tpu.memref_squeeze %dma_start3A_16 : memref<1x16xf32, #tpu.memory_space<vmem_shared>> -> memref<16xf32, #tpu.memory_space<vmem_shared>>
      tpu.enqueue_dma source(%arg7 : memref<16xf32, #tpu.memory_space<vmem>>) target(%dma_start3A_17 : memref<16xf32, #tpu.memory_space<vmem_shared>>) target_semaphore(%run_scoped3A : memref<!tpu.dma_semaphore, #tpu.memory_space<semaphore_mem>>)
      %dma_wait3A_18 = arith.constant 0 : i32
      %dma_wait3A_19 = tpu.memref_slice %arg8[%arg1, %dma_wait3A_18] : memref<16x16xf32, #tpu.memory_space<vmem_shared>> -> memref<1x16xf32, #tpu.memory_space<vmem_shared>>
      %dma_wait3A_20 = tpu.memref_squeeze %dma_wait3A_19 : memref<1x16xf32, #tpu.memory_space<vmem_shared>> -> memref<16xf32, #tpu.memory_space<vmem_shared>>
      %dma_wait3A_21 = arith.constant 0 : i32
      %dma_wait3A_22 = tpu.memref_slice %arg8[%arg1, %dma_wait3A_21] : memref<16x16xf32, #tpu.memory_space<vmem_shared>> -> memref<1x16xf32, #tpu.memory_space<vmem_shared>>
      %dma_wait3A_23 = tpu.memref_squeeze %dma_wait3A_22 : memref<1x16xf32, #tpu.memory_space<vmem_shared>> -> memref<16xf32, #tpu.memory_space<vmem_shared>>
      tpu.wait_dma2 semaphore(%run_scoped3A : memref<!tpu.dma_semaphore, #tpu.memory_space<semaphore_mem>>) src(%arg7 : memref<16xf32, #tpu.memory_space<vmem>>) dst(%dma_wait3A_23 : memref<16xf32, #tpu.memory_space<vmem_shared>>)
      tpu.yield
    }) : () -> ()
    %barrier3A = arith.constant 0 : index
    tpu.barrier barrier_id(%barrier3A)
    %eq3A = arith.constant 0 : i32
    %eq3A_10 = arith.cmpi eq, %arg1, %eq3A : i32
    %convert_element_type3A = arith.extui %eq3A_10 : i1 to i32
    %cond3A = arith.constant 0 : i32
    %cond3A_11 = arith.cmpi ne, %convert_element_type3A, %cond3A : i32
    scf.if %cond3A_11 {
      "tpu.region"() ({
        %run_scoped3A = tpu.sem_alloc : memref<!tpu.dma_semaphore, #tpu.memory_space<semaphore_mem>>
        tpu.enqueue_dma source(%arg8 : memref<16x16xf32, #tpu.memory_space<vmem_shared>>) target(%arg9 : memref<16x16xf32, #tpu.memory_space<vmem>>) target_semaphore(%run_scoped3A : memref<!tpu.dma_semaphore, #tpu.memory_space<semaphore_mem>>)
        tpu.wait_dma2 semaphore(%run_scoped3A : memref<!tpu.dma_semaphore, #tpu.memory_space<semaphore_mem>>) src(%arg8 : memref<16x16xf32, #tpu.memory_space<vmem_shared>>) dst(%arg9 : memref<16x16xf32, #tpu.memory_space<vmem>>)
        tpu.yield
      }) : () -> ()
      %broadcast_in_dim3A_12 = arith.constant 0.000000e+00 : f32
      %broadcast_in_dim3A_13 = vector.broadcast %broadcast_in_dim3A_12 : f32 to vector<16xf32>
      %get3A = arith.constant 0 : i32
      %get3A_14 = arith.index_cast %get3A : i32 to index
      %get3A_15 = arith.constant 0 : index
      %get3A_16 = tpu.vector_load %arg9[%get3A_14, %get3A_15] {strides = array<i32>} : memref<16x16xf32, #tpu.memory_space<vmem>>, vector<16xf32>,
      %add3A = arith.addf %broadcast_in_dim3A_13, %get3A_16 : vector<16xf32>
      %get3A_17 = arith.constant 1 : i32
      %get3A_18 = arith.index_cast %get3A_17 : i32 to index
      %get3A_19 = arith.constant 0 : index
      %get3A_20 = tpu.vector_load %arg9[%get3A_18, %get3A_19] {strides = array<i32>} : memref<16x16xf32, #tpu.memory_space<vmem>>, vector<16xf32>,
      %add3A_21 = arith.addf %add3A, %get3A_20 : vector<16xf32>
      %get3A_22 = arith.constant 2 : i32
      %get3A_23 = arith.index_cast %get3A_22 : i32 to index
      %get3A_24 = arith.constant 0 : index
      %get3A_25 = tpu.vector_load %arg9[%get3A_23, %get3A_24] {strides = array<i32>} : memref<16x16xf32, #tpu.memory_space<vmem>>, vector<16xf32>,
      %add3A_26 = arith.addf %add3A_21, %get3A_25 : vector<16xf32>
      %get3A_27 = arith.constant 3 : i32
      %get3A_28 = arith.index_cast %get3A_27 : i32 to index
      %get3A_29 = arith.constant 0 : index
      %get3A_30 = tpu.vector_load %arg9[%get3A_28, %get3A_29] {strides = array<i32>} : memref<16x16xf32, #tpu.memory_space<vmem>>, vector<16xf32>,
      %add3A_31 = arith.addf %add3A_26, %get3A_30 : vector<16xf32>
      %get3A_32 = arith.constant 4 : i32
      %get3A_33 = arith.index_cast %get3A_32 : i32 to index
      %get3A_34 = arith.constant 0 : index
      %get3A_35 = tpu.vector_load %arg9[%get3A_33, %get3A_34] {strides = array<i32>} : memref<16x16xf32, #tpu.memory_space<vmem>>, vector<16xf32>,
      %add3A_36 = arith.addf %add3A_31, %get3A_35 : vector<16xf32>
      %get3A_37 = arith.constant 5 : i32
      %get3A_38 = arith.index_cast %get3A_37 : i32 to index
      %get3A_39 = arith.constant 0 : index
      %get3A_40 = tpu.vector_load %arg9[%get3A_38, %get3A_39] {strides = array<i32>} : memref<16x16xf32, #tpu.memory_space<vmem>>, vector<16xf32>,
      %add3A_41 = arith.addf %add3A_36, %get3A_40 : vector<16xf32>
      %get3A_42 = arith.constant 6 : i32
      %get3A_43 = arith.index_cast %get3A_42 : i32 to index
      %get3A_44 = arith.constant 0 : index
      %get3A_45 = tpu.vector_load %arg9[%get3A_43, %get3A_44] {strides = array<i32>} : memref<16x16xf32, #tpu.memory_space<vmem>>, vector<16xf32>,
      %add3A_46 = arith.addf %add3A_41, %get3A_45 : vector<16xf32>
      %get3A_47 = arith.constant 7 : i32
      %get3A_48 = arith.index_cast %get3A_47 : i32 to index
      %get3A_49 = arith.constant 0 : index
      %get3A_50 = tpu.vector_load %arg9[%get3A_48, %get3A_49] {strides = array<i32>} : memref<16x16xf32, #tpu.memory_space<vmem>>, vector<16xf32>,
      %add3A_51 = arith.addf %add3A_46, %get3A_50 : vector<16xf32>
      %get3A_52 = arith.constant 8 : i32
      %get3A_53 = arith.index_cast %get3A_52 : i32 to index
      %get3A_54 = arith.constant 0 : index
      %get3A_55 = tpu.vector_load %arg9[%get3A_53, %get3A_54] {strides = array<i32>} : memref<16x16xf32, #tpu.memory_space<vmem>>, vector<16xf32>,
      %add3A_56 = arith.addf %add3A_51, %get3A_55 : vector<16xf32>
      %get3A_57 = arith.constant 9 : i32
      %get3A_58 = arith.index_cast %get3A_57 : i32 to index
      %get3A_59 = arith.constant 0 : index
      %get3A_60 = tpu.vector_load %arg9[%get3A_58, %get3A_59] {strides = array<i32>} : memref<16x16xf32, #tpu.memory_space<vmem>>, vector<16xf32>,
      %add3A_61 = arith.addf %add3A_56, %get3A_60 : vector<16xf32>
      %get3A_62 = arith.constant 10 : i32
      %get3A_63 = arith.index_cast %get3A_62 : i32 to index
      %get3A_64 = arith.constant 0 : index
      %get3A_65 = tpu.vector_load %arg9[%get3A_63, %get3A_64] {strides = array<i32>} : memref<16x16xf32, #tpu.memory_space<vmem>>, vector<16xf32>,
      %add3A_66 = arith.addf %add3A_61, %get3A_65 : vector<16xf32>
      %get3A_67 = arith.constant 11 : i32
      %get3A_68 = arith.index_cast %get3A_67 : i32 to index
      %get3A_69 = arith.constant 0 : index
      %get3A_70 = tpu.vector_load %arg9[%get3A_68, %get3A_69] {strides = array<i32>} : memref<16x16xf32, #tpu.memory_space<vmem>>, vector<16xf32>,
      %add3A_71 = arith.addf %add3A_66, %get3A_70 : vector<16xf32>
      %get3A_72 = arith.constant 12 : i32
      %get3A_73 = arith.index_cast %get3A_72 : i32 to index
      %get3A_74 = arith.constant 0 : index
      %get3A_75 = tpu.vector_load %arg9[%get3A_73, %get3A_74] {strides = array<i32>} : memref<16x16xf32, #tpu.memory_space<vmem>>, vector<16xf32>,
      %add3A_76 = arith.addf %add3A_71, %get3A_75 : vector<16xf32>
      %get3A_77 = arith.constant 13 : i32
      %get3A_78 = arith.index_cast %get3A_77 : i32 to index
      %get3A_79 = arith.constant 0 : index
      %get3A_80 = tpu.vector_load %arg9[%get3A_78, %get3A_79] {strides = array<i32>} : memref<16x16xf32, #tpu.memory_space<vmem>>, vector<16xf32>,
      %add3A_81 = arith.addf %add3A_76, %get3A_80 : vector<16xf32>
      %get3A_82 = arith.constant 14 : i32
      %get3A_83 = arith.index_cast %get3A_82 : i32 to index
      %get3A_84 = arith.constant 0 : index
      %get3A_85 = tpu.vector_load %arg9[%get3A_83, %get3A_84] {strides = array<i32>} : memref<16x16xf32, #tpu.memory_space<vmem>>, vector<16xf32>,
      %add3A_86 = arith.addf %add3A_81, %get3A_85 : vector<16xf32>
      %get3A_87 = arith.constant 15 : i32
      %get3A_88 = arith.index_cast %get3A_87 : i32 to index
      %get3A_89 = arith.constant 0 : index
      %get3A_90 = tpu.vector_load %arg9[%get3A_88, %get3A_89] {strides = array<i32>} : memref<16x16xf32, #tpu.memory_space<vmem>>, vector<16xf32>,
      %add3A_91 = arith.addf %add3A_86, %get3A_90 : vector<16xf32>
      %reduce_sum3A = arith.constant true
      %reduce_sum3A_92 = vector.broadcast %reduce_sum3A : i1 to vector<16xi1>
      %reduce_sum3A_93 = tpu.scan <sum>, %add3A_91 masked %reduce_sum3A_92 : vector<16xf32>, vector<16xi1> -> vector<16xf32>
      %reduce_sum3A_94 = vector.extract %reduce_sum3A_93[15] : f32 from vector<16xf32>
      %sub3A = arith.constant 4.223900e+04 : f32
      %sub3A_95 = arith.subf %reduce_sum3A_94, %sub3A : f32
      %broadcast_in_dim3A_96 = vector.broadcast %sub3A_95 : f32 to vector<16xf32>
      %sign3A = tpu.bitcast %broadcast_in_dim3A_96 : vector<16xf32> -> vector<16xi32>
      %sign3A_97 = arith.constant -2147483648 : i32
      %sign3A_98 = vector.broadcast %sign3A_97 : i32 to vector<16xi32>
      %sign3A_99 = arith.andi %sign3A, %sign3A_98 : vector<16xi32>
      %sign3A_100 = arith.constant 1065353216 : i32
      %sign3A_101 = vector.broadcast %sign3A_100 : i32 to vector<16xi32>
      %sign3A_102 = arith.ori %sign3A_101, %sign3A_99 : vector<16xi32>
      %sign3A_103 = tpu.bitcast %sign3A_102 : vector<16xi32> -> vector<16xf32>
      %sign3A_104 = math.absf %broadcast_in_dim3A_96 : vector<16xf32>
      %sign3A_105 = arith.constant 0.000000e+00 : f32
      %sign3A_106 = vector.broadcast %sign3A_105 : f32 to vector<16xf32>
      %sign3A_107 = arith.cmpf ogt, %sign3A_104, %sign3A_106 : vector<16xf32>
      %sign3A_108 = arith.select %sign3A_107, %sign3A_103, %broadcast_in_dim3A_96 : vector<16xi1>, vector<16xf32>
      %swap3A_109 = arith.constant 0 : index
      %swap3A_110 = tpu.vector_load %arg10[%swap3A_109] {strides = array<i32>} : memref<128xf32, #tpu.memory_space<vmem>>, vector<16xf32>,
      tpu.vector_store %arg10[%swap3A_109], %sign3A_108 {strides = array<i32>} : memref<128xf32, #tpu.memory_space<vmem>>, vector<16xf32>,
      %swap3A_111 = arith.constant 16 : index
      %swap3A_112 = tpu.vector_load %arg10[%swap3A_111] {strides = array<i32>} : memref<128xf32, #tpu.memory_space<vmem>>, vector<16xf32>,
      tpu.vector_store %arg10[%swap3A_111], %sign3A_108 {strides = array<i32>} : memref<128xf32, #tpu.memory_space<vmem>>, vector<16xf32>,
      %swap3A_113 = arith.constant 32 : index
      %swap3A_114 = tpu.vector_load %arg10[%swap3A_113] {strides = array<i32>} : memref<128xf32, #tpu.memory_space<vmem>>, vector<16xf32>,
      tpu.vector_store %arg10[%swap3A_113], %sign3A_108 {strides = array<i32>} : memref<128xf32, #tpu.memory_space<vmem>>, vector<16xf32>,
      %swap3A_115 = arith.constant 48 : index
      %swap3A_116 = tpu.vector_load %arg10[%swap3A_115] {strides = array<i32>} : memref<128xf32, #tpu.memory_space<vmem>>, vector<16xf32>,
      tpu.vector_store %arg10[%swap3A_115], %sign3A_108 {strides = array<i32>} : memref<128xf32, #tpu.memory_space<vmem>>, vector<16xf32>,
      %swap3A_117 = arith.constant 64 : index
      %swap3A_118 = tpu.vector_load %arg10[%swap3A_117] {strides = array<i32>} : memref<128xf32, #tpu.memory_space<vmem>>, vector<16xf32>,
      tpu.vector_store %arg10[%swap3A_117], %sign3A_108 {strides = array<i32>} : memref<128xf32, #tpu.memory_space<vmem>>, vector<16xf32>,
      %swap3A_119 = arith.constant 80 : index
      %swap3A_120 = tpu.vector_load %arg10[%swap3A_119] {strides = array<i32>} : memref<128xf32, #tpu.memory_space<vmem>>, vector<16xf32>,
      tpu.vector_store %arg10[%swap3A_119], %sign3A_108 {strides = array<i32>} : memref<128xf32, #tpu.memory_space<vmem>>, vector<16xf32>,
      %swap3A_121 = arith.constant 96 : index
      %swap3A_122 = tpu.vector_load %arg10[%swap3A_121] {strides = array<i32>} : memref<128xf32, #tpu.memory_space<vmem>>, vector<16xf32>,
      tpu.vector_store %arg10[%swap3A_121], %sign3A_108 {strides = array<i32>} : memref<128xf32, #tpu.memory_space<vmem>>, vector<16xf32>,
      %swap3A_123 = arith.constant 112 : index
      %swap3A_124 = tpu.vector_load %arg10[%swap3A_123] {strides = array<i32>} : memref<128xf32, #tpu.memory_space<vmem>>, vector<16xf32>,
      tpu.vector_store %arg10[%swap3A_123], %sign3A_108 {strides = array<i32>} : memref<128xf32, #tpu.memory_space<vmem>>, vector<16xf32>,
      "tpu.region"() ({
        %run_scoped3A = tpu.sem_alloc : memref<!tpu.dma_semaphore, #tpu.memory_space<semaphore_mem>>
        tpu.enqueue_dma source(%arg10 : memref<128xf32, #tpu.memory_space<vmem>>) target(%arg4 : memref<128xf32, #tpu.memory_space<hbm>>) target_semaphore(%run_scoped3A : memref<!tpu.dma_semaphore, #tpu.memory_space<semaphore_mem>>)
        tpu.wait_dma2 semaphore(%run_scoped3A : memref<!tpu.dma_semaphore, #tpu.memory_space<semaphore_mem>>) src(%arg10 : memref<128xf32, #tpu.memory_space<vmem>>) dst(%arg4 : memref<128xf32, #tpu.memory_space<hbm>>)
        tpu.yield
      }) : () -> ()
    } else {
    }
    return
  }
}

</mosaic_0001>

<sc_bundles>
// kernel: kernel.3.cloned.1.call-start
scs
__scs_entry_jumppad:
0x0: {  	(pc) =	sbr.rel $0x88, $3  }
0x1: {  	(tag) =	ssettag $0x0;
	lr =	simm.s32 $0x1  }
0x2: {  	[smem:$0x3F9E] =	sst lr;
	_ =	strace $0xD0000000  }
0x3: {  	_ = 	snop  }
0x4: {  	_ = 	snop  }
0x5: {  	_ = 	snop  }
0x6: {  	_ = 	snop  }
0x7: {  	_ = 	snop  }
__scs_overlays_trampoline_lowered:
0x8: {  	[smem:$0x3FAD] =	sst s0  }
0x9: {  	[smem:$0x3FAE] =	sst s1  }
0xa: {  	[smem:$0x3FAF] =	sst s2  }
0xb: {  	[smem:$0x3FB0] =	sst s3  }
0xc: {  	[smem:$0x3FB1] =	sst s4  }
0xd: {  	[smem:$0x3FB2] =	sst s5  }
0xe: {  	[smem:$0x3FB3] =	sst s6  }
0xf: {  	[smem:$0x3FB4] =	sst s7  }
0x10: {  	[smem:$0x3FB5] =	sst s8  }
0x11: {  	[smem:$0x3FB6] =	sst s9;
	s0 =	simm.s32 @!p0 $0x0  }
0x12: {  	s1 =	sld [smem:$0x3F9C];
	s0 =	simm.s32 @p0 $0x1  }
0x13: {  	[smem:$0x3FB7] =	sst s0;
	s0 =	simm.s32 @!p1 $0x0  }
0x14: {  	s2 =	sld [smem:$0x3F9B];
	s0 =	simm.s32 @p1 $0x1  }
0x15: {  	[smem:$0x3FB8] =	sst s0;
	s0 =	simm.s32 @!p2 $0x0  }
0x16: {  	s3 =	sld [smem:$0x3FDB];
	s0 =	simm.s32 @p2 $0x1  }
0x17: {  	s4 =	simm.s32 $0x1BF5;
	[smem:$0x3FBA] =	sst s0  }
0x18: {  	s0 =	sld [smem:$0x3F9D];
	_ =	swait.ge [sflag:s4], $0x0  }
0x19: {  	s7 =	sld [smem:$0x3F9E]  }
0x1a: {  	s8 =	sadd.s32 $0xFFFFE003, lr  }
0x1b: {  	s9 =	sadd.s32 $0xFFFFFEF7, lr;
	s5 =	simm.s32 $0xFFFFFFFF;
	p2 =	slt.u32 s8, $0xFFFFF086  }
0x1c: {  	p1 =	slt.u32 s9, $0xF7A;
	s5 =	simm.s32 @!p2 $0x0  }
0x1d: {  	s5 =	simm.s32 @p1 $0x1;
	p0 =	seq.s32 s7, s2  }
0x1e: {  	s7 =	smul.u32 @!p0 $0xF7A, s2;
	p2 =	seq.s32 @!p0 s5, $0x0  }
0x1f: {  	s9 =	smul.u32 $0xF7A, s1;
	s8 =	simm.s32 @!p0 $0x1BF5;
	p2 =	por !p2, p0  }
0x20: {  	[sflag:s8] =	ssyncset.s32 @!p0 $0xFFFFF086;
	s6 =	sadd.s32 @!p0 s3, s7;
	s7 =	simm.s32 @!p0 $0x108  }
0x21: {  	s3 =	sadd.s32 s3, s9;
	s6 =	sadd.s32 @!p0 $0x88, s6;
	s7 =	simm.s32 @p2 $0x1082  }
0x22: {  	[simem:s7], [sflag:s8] =	dma.local @!p0 [hbm:s6], $0xF7A  }
0x23: {  	s9 =	sor.u32 $0xD0000000, s2;
	s6 =	simm.s32 $0x108;
	_ =	swait.ge @!p0 [sflag:s8], $0x0  }
0x24: {  	s3 =	sadd.s32 $0x88, s3;
	s6 =	simm.s32 @!p1 $0x1082;
	[sflag:s4] =	ssyncset.s32 $0xFFFFF086  }
0x25: {  	[simem:s6], [sflag:s4] =	dma.local [hbm:s3], $0xF7A  }
0x26: {  	[smem:$0x3F9E] =	sst s1;
	(tag) =	ssettag s2;
	_ =	strace s9  }
0x27: {  	s1 =	sld [smem:$0x3FAE]  }
0x28: {  	s2 =	sld [smem:$0x3FAF]  }
0x29: {  	s4 =	sld [smem:$0x3FB1]  }
0x2a: {  	p0 =	seq.s32 s5, $0x0;
	s5 =	sld [smem:$0x3FB2]  }
0x2b: {  	s6 =	sld [smem:$0x3FB3]  }
0x2c: {  	s7 =	sld [smem:$0x3FB4]  }
0x2d: {  	s3 =	simm.s32 $0x108;
	s8 =	sld [smem:$0x3FB5]  }
0x2e: {  	s3 =	simm.s32 @!p0 $0x1082;
	s9 =	sld [smem:$0x3FB6]  }
0x2f: {  	lr =	sadd.s32 s0, s3;
	s0 =	sld [smem:$0x3FAD]  }
0x30: {  	s3 =	sld [smem:$0x3FB0]  }
0x31: {  	[smem:$0x3FB9] =	sst s10  }
0x32: {  	s10 =	sld [smem:$0x3FB7];
	_ =	sdelay $0x3  }
0x33: {  	p0 =	seq.s32 s10, $0x1;
	s10 =	sld [smem:$0x3FB9];
	_ =	sdelay $0x3  }
0x34: {  	[smem:$0x3FB9] =	sst s10  }
0x35: {  	s10 =	sld [smem:$0x3FB8];
	_ =	sdelay $0x3  }
0x36: {  	p1 =	seq.s32 s10, $0x1;
	s10 =	sld [smem:$0x3FB9];
	_ =	sdelay $0x3  }
0x37: {  	[smem:$0x3FB9] =	sst s10  }
0x38: {  	s10 =	sld [smem:$0x3FBA]  }
0x39: {  	_ = 	snop;
	(pc) =	sbr.ind lr, $3  }
0x3a: {  	_ = 	snop  }
0x3b: {  	_ = 	snop  }
0x3c: {  	p2 =	seq.s32 s10, $0x1;
	s10 =	sld [smem:$0x3FB9]  }
0x3d: {  	_ =	shalt  }
0x3e: {  	_ =	shalt  }
0x3f: {  	_ =	shalt  }
0x40: {  	_ =	shalt  }
0x41: {  	_ =	shalt  }
0x42: {  	_ =	shalt  }
0x43: {  	_ =	shalt  }
0x44: {  	_ =	shalt  }
0x45: {  	_ =	shalt  }
0x46: {  	_ =	shalt  }
0x47: {  	_ =	shalt  }
0x48: {  	_ =	shalt  }
0x49: {  	_ =	shalt  }
0x4a: {  	_ =	shalt  }
0x4b: {  	_ =	shalt  }
0x4c: {  	_ =	shalt  }
0x4d: {  	_ =	shalt  }
0x4e: {  	_ =	shalt  }
0x4f: {  	_ =	shalt  }
0x50: {  	_ =	shalt  }
0x51: {  	_ =	shalt  }
0x52: {  	_ =	shalt  }
0x53: {  	_ =	shalt  }
0x54: {  	_ =	shalt  }
0x55: {  	_ =	shalt  }
0x56: {  	_ =	shalt  }
0x57: {  	_ =	shalt  }
0x58: {  	_ =	shalt  }
0x59: {  	_ =	shalt  }
0x5a: {  	_ =	shalt  }
0x5b: {  	_ =	shalt  }
0x5c: {  	_ =	shalt  }
0x5d: {  	_ =	shalt  }
0x5e: {  	_ =	shalt  }
0x5f: {  	_ =	shalt  }
0x60: {  	_ =	shalt  }
0x61: {  	_ =	shalt  }
0x62: {  	_ =	shalt  }
0x63: {  	_ =	shalt  }
0x64: {  	_ =	shalt  }
0x65: {  	_ =	shalt  }
0x66: {  	_ =	shalt  }
0x67: {  	_ =	shalt  }
0x68: {  	_ =	shalt  }
0x69: {  	_ =	shalt  }
0x6a: {  	_ =	shalt  }
0x6b: {  	_ =	shalt  }
0x6c: {  	_ =	shalt  }
0x6d: {  	_ =	shalt  }
0x6e: {  	_ =	shalt  }
0x6f: {  	_ =	shalt  }
0x70: {  	_ =	shalt  }
0x71: {  	_ =	shalt  }
0x72: {  	_ =	shalt  }
0x73: {  	_ =	shalt  }
0x74: {  	_ =	shalt  }
0x75: {  	_ =	shalt  }
0x76: {  	_ =	shalt  }
0x77: {  	_ =	shalt  }
0x78: {  	_ =	shalt  }
0x79: {  	_ =	shalt  }
0x7a: {  	_ =	shalt  }
0x7b: {  	_ =	shalt  }
0x7c: {  	_ =	shalt  }
0x7d: {  	_ =	shalt  }
0x7e: {  	_ =	shalt  }
0x7f: {  	_ =	shalt  }
0x80: {  	_ =	shalt  }
0x81: {  	_ =	shalt  }
0x82: {  	_ =	shalt  }
0x83: {  	_ =	shalt  }
0x84: {  	_ =	shalt  }
0x85: {  	_ =	shalt  }
0x86: {  	_ =	shalt  }
0x87: {  	_ =	shalt  }
.Lfunc_end0:
.L_simem_size_0:
called_computation_lowered:
.L_overlay_start_0:
0x88: {  	s0 =	sld [smem:$0x3FD9]  }
0x89: {  	s1 =	sld [smem:$0x3FFE];
	_ =	sdelay $0x3  }
0x8a: {  	s0 =	sadd.s32 s1, s0  }
0x8b: {  	[smem:$0x3FC5] =	sst s0  }
0x8c: {  	_ = 	snop  }
0x8d: {  	s0 =	sld [smem:$0x3FD0];
	(tm) =	ssettm $0x1  }
0x8e: {  	s16 =	sld [smem:$0x3FFB];
	_ =	sdelay $0x3  }
0x8f: {  	_ =	strace s16  }
0x90: {  	s1 =	sld [smem:$0x3FFC];
	_ =	sdelay $0x3  }
0x91: {  	_ =	strace s1  }
0x92: {  	s1 =	sld [smem:$0x3FFD];
	_ =	sdelay $0x3  }
0x93: {  	_ =	strace s1  }
0x94: {  	_ =	strace $0x8FFFFFFF  }
0x95: {  	s17 =	sld [smem:$0x3FDB];
	_ =	sdelay $0x1  }
0x96: {  	s2 =	simm.s32 $_scs_section_size  }
0x97: {  	s3 =	simm.s32 $_size__tile_overlayer_lowered;
	s4 =	simm.s32 $_tile_overlayer_lowered  }
0x98: {  	s20 =	simm.s32 $0x1BFF;
	s19 =	sshll.u32 s4, $0x1;
	s1 =	sadd.s32 s2, s17  }
0x99: {  	s5 =	simm.s32 $0x0;
	s18 =	sshll.u32 s3, $0x1;
	s3 =	sadd.s32 s19, s1  }
0x9a: {  	[timem:s5], [sflag:s20] =	dma.local [hbm:s3], s18  }
0x9b: {  	_ =	swait.ge [sflag:s20], s18  }
0x9c: {  	s2 =	ssub.s32 $0x0, s18;
	[sflag:s20] =	ssyncset.done $0x0  }
0x9d: {  	[sflag:s20] =	ssyncadd.s32 s2;
	_ =	sdelay $0x1  }
0x9e: {  	s21 =	simm.s32 $0x1B8B  }
0x9f: {  	_ =	swait.ge [sflag:s21], $0x1  }
0xa0: {  	[sflag:s21] =	ssyncset.done $0x0  }
0xa1: {  	s23 =	simm.s32 $0x1B8E;
	s22 =	sld [smem:$0x3FFE];
	[sflag:s21] =	ssyncadd.s32 $0xFFFFFFFF  }
0xa2: {  	s24 =	simm.s32 $execute0_lowered;
	[smem:$0x3FD2] =	sst s23  }
0xa3: {  	s3 =	sshll.u32 s24, $0x1;
	_ =	strace $0x80000046;
	[dreg:$0x1] =	wrdreg $0xFFFFFFFF  }
0xa4: {  	s25 =	simm.s32 $_size_execute0_lowered;
	s1 =	sadd.s32 s1, s3;
	[dreg:$0x0] =	wrdreg $0x0  }
0xa5: {  	s3 =	sshll.u32 s25, $0x1;
	[dreg:$0x2] =	wrdreg s1  }
0xa6: {  	[dreg:$0x3] =	wrdreg s3  }
0xa7: {  	[dreg:$0x4] =	wrdreg $0xC0  }
0xa8: {  	_ =	task [dreg:s5], $0x5FFFF  }
0xa9: {  	[dreg:$0x1] =	wrdreg $0xFFFFFFFF  }
0xaa: {  	[dreg:$0x0] =	wrdreg $0x60  }
0xab: {  	[dreg:$0x2] =	wrdreg s22  }
0xac: {  	[dreg:$0x3] =	wrdreg s0  }
0xad: {  	[dreg:$0x4] =	wrdreg $0x47000  }
0xae: {  	[dreg:$0x5] =	wrdreg $0x9  }
0xaf: {  	_ =	task.clear_ibuf [dreg:s5], $0x6FFFF;
	_ =	strace $0x90000046  }
0xb0: {  	s26 =	simm.s32 $0x9;
	_ =	strace $0x80000048  }
0xb1: {  	_ =	swait.ge [sflag:s26], $0x1  }
0xb2: {  	[sflag:s26] =	ssyncadd.s32 $0xFFFFFFFF  }
0xb3: {  	_ =	strace $0x90000048  }
0xb4: {  	_ =	sfence  }
0xb5: {  	s28 =	sld [smem:$0x0];
	_ =	sdelay $0x1  }
0xb6: {  	s29 =	srdreg.scid  }
0xb7: {  	s30 =	sshll.u32 s29, $0xD;
	s31 =	sshrl.u32 s29, $0x2  }
0xb8: {  	s2 =	sand.u32 $0x4000, s30;
	s1 =	sand.u32 $0x1, s29;
	s0 =	sadd.s32 s31, s28  }
0xb9: {  	s1 =	sor.u32 s2, s1;
	s0 =	sshll.u32 s0, $0x11  }
0xba: {  	s0 =	sor.u32 s0, s1  }
0xbb: {  	s0 =	sadd.s32 $0x8F2B, s0  }
0xbc: {  	[sflag:s0] =	ssyncadd.remote.s32 $0x1  }
0xbd: {  	_ =	sfence.sel $0xFFFF  }
0xbe: {  	[dreg:$0x0] =	wrdreg $0xFFFFFFFF;
	(pc) =	sbr.abs _section_cstart, $3  }
0xbf: {  	[dreg:$0x1] =	wrdreg $0xFFFFFFFF  }
0xc0: {  	_ =	task.clear_ibuf [dreg:s5], $0x2FFFF;
	_ =	strace $0x9FFFFFFF  }
0xc1: {  	(tm) =	ssettm $0x7FFFFFFF  }
tec
execute0_lowered:
.L_overlay_start_1:
0x0: {  	(tag) =	ssettag $0x1  }
0x1: {  	s5 =	rddreg [dreg:$0x0]  }
0x2: {  	s1 =	rddreg [dreg:$0x1]  }
0x3: {  	s2 =	rddreg [dreg:$0x2];
	s3 =	stileid.u32  }
0x4: {  	s0 =	rddreg [dreg:$0x3];
	s4 =	simm.s32 $0x0;
	s6 =	smul.u32 $0x3DE, s3  }
0x5: {  	[smem:$0x7FF] =	sst s4  }
0x6: {  	s7 =	sadd.s32 $0x4200, s5;
	_ =	strace $0x80000047;
	s5 =	sadd.s32 s6, s5  }
0x7: {  	[tilespmem:s4], [sflag:$0x1] =	stream.linear.gather [hbm4b:s7+s4], $0x2780, $0x38;
	[tilespmem:$0x4F90] =	vst v63  }
0x8: {  	s25 =	simm.s32 $0x2780;
	s26 =	simm.s32 $0x1;
	s5 =	sadd.s32 $0x400, s5  }
0x9: {  	[tilespmem:s25], [sflag:$0x2] =	stream.linear.gather [hbm4b:s5+s4], $0x1EF0, $0x38;
	[tilespmem:$0x4F90] =	vst v63  }
0xa: {  	_ =	swait.ge [sflag:s26], $0x2780  }
0xb: {  	[sflag:s26] =	ssyncset.done $0x0  }
0xc: {  	s28 =	simm.s32 $0x2;
	[sflag:s26] =	ssyncadd.s32 $0xFFFFD880  }
0xd: {  	_ =	swait.ge [sflag:s28], $0x1EF0  }
0xe: {  	[sflag:s28] =	ssyncset.done $0x0  }
0xf: {  	s29 =	simm.s32 $0x0;
	[sflag:s28] =	ssyncadd.s32 $0xFFFFE110  }
0x10: {  	v0 =	vld [tilespmem:s29+$0x2780]  }
0x11: {  	v1 =	vld [tilespmem:s29+$0x31D0];
	_ =	sdelay $0x1  }
0x12: {  	v3 =	vld [tilespmem:s29+$0x3C20];
	_ =	sdelay $0x1  }
0x13: {  	v2 =	vand.u32 $0x7FFFFFFF, v0  }
0x14: {  	v4 =	vand.u32 $0x7FFFFFFF, v1  }
0x15: {  	s30 =	simm.s32 $0x10  }
0x16: {  	v5 =	vld [tilespmem:s30+$0x2780];
	v6 =	vand.u32 $0x7FFFFFFF, v3  }
0x17: {  	v7 =	vld [tilespmem:s30+$0x31D0]  }
0x18: {  	v2 =	vld.idx.msk [tilespmem:v2+s4+$0x0], $0xffff  }
0x19: {  	v8 =	vld.idx.msk [tilespmem:v4+s4+$0x0], $0xffff  }
0x1a: {  	v4 =	vld [tilespmem:s30+$0x3C20]  }
0x1b: {  	v9 =	vand.u32 $0x7FFFFFFF, v5;
	v6 =	vld.idx.msk [tilespmem:v6+s4+$0x0], $0xffff  }
0x1c: {  	v0 =	vand.u32 $0x80000000, v0  }
0x1d: {  	v2 =	vxor.u32 v2, v0  }
0x1e: {  	s31 =	simm.s32 $0x20;
	v1 =	vand.u32 $0x80000000, v1;
	v12 =	vand.u32 $0x7FFFFFFF, v7;
	v10 =	vmul.f32 $1.699999980e+38, v2  }
0x1f: {  	v0 =	vld [tilespmem:s31+$0x2780];
	v1 =	vxor.u32 v8, v1;
	v8 =	vand.u32 $0x80000000, v3;
	v13 =	vand.u32 $0x7FFFFFFF, v4  }
0x20: {  	v14 =	vld.idx.msk [tilespmem:v9+s4+$0x0], $0xffff;
	v11 =	vmul.f32 $1.699999980e+38, v1;
	v6 =	vxor.u32 v6, v8;
	v10 =	vmul.f32 $1.699999980e+38, v10  }
0x21: {  	v2 =	vld [tilespmem:s31+$0x31D0];
	v8 =	vmul.f32 $1.699999980e+38, v6  }
0x22: {  	v5 =	vand.u32 $0x80000000, v5;
	v1 =	vld [tilespmem:s31+$0x3C20];
	v9 =	vmax.f32 v10, $-1.000000000e+00;
	v10 =	vmul.f32 $1.699999980e+38, v11  }
0x23: {  	v16 =	vmul.f32 $1.699999980e+38, v8;
	v11 =	vand.u32 $0x80000000, v7;
	v7 =	vmin.f32 v9, $1.000000000e+00;
	v9 =	vld.idx.msk [tilespmem:v12+s4+$0x0], $0xffff  }
0x24: {  	v6 =	vand.u32 $0x7FFFFFFF, v0;
	v8 =	vld.idx.msk [tilespmem:v13+s4+$0x0], $0xffff;
	v15 =	vadd.f32 $2.000000000e+00, v7;
	v10 =	vmax.f32 v10, $-1.000000000e+00  }
0x25: {  	v3 =	vimm.f32 $0.0e+00;
	v13 =	vxor.u32 v14, v5;
	v10 =	vmin.f32 v10, $1.000000000e+00  }
0x26: {  	s6 =	simm.s32 $0x30;
	v14 =	vmax.f32 v16, $-1.000000000e+00;
	v7 =	vand.u32 $0x7FFFFFFF, v2;
	v12 =	vadd.f32 v10, v15  }
0x27: {  	s5 =	simm.s32 $0x100;
	v5 =	vld [tilespmem:s6+$0x2780];
	v13 =	vmul.f32 $1.699999980e+38, v13;
	v14 =	vmin.f32 v14, $1.000000000e+00;
	v10 =	vand.u32 $0x7FFFFFFF, v1  }
.LBB2_1:
0x28: {  	p0 =	sne.s32 s5, $0x2900;
	v15 =	vld [tilespmem:s6+$0x31D0];
	v9 =	vxor.u32 v9, v11;
	v11 =	vand.u32 $0x80000000, v4;
	v12 =	vadd.f32 v14, v12;
	v4 =	vmovc v1  }
0x29: {  	v14 =	vld.idx.msk [tilespmem:v6+s4+$0x0], $0xffff;
	v6 =	vmul.f32 $1.699999980e+38, v13;
	v13 =	vmul.f32 $1.699999980e+38, v9;
	v8 =	vxor.u32 v8, v11  }
0x2a: {  	v1 =	vld [tilespmem:s6+$0x3C20];
	v16 =	vmul.f32 $1.699999980e+38, v8;
	v8 =	vmin.f32 v12, $1.000000000e+00  }
0x2b: {  	v9 =	vld.idx.msk [tilespmem:v7+s4+$0x0], $0xffff;
	v7 =	vmax.f32 v6, $-1.000000000e+00;
	v12 =	vmul.f32 $1.699999980e+38, v13;
	v3 =	vadd.f32 v8, v3  }
.Ltmp0:
0x2c: {  	v11 =	vand.u32 $0x80000000, v2;
	v6 =	vand.u32 $0x7FFFFFFF, v5;
	v8 =	vld.idx.msk [tilespmem:v10+s4+$0x0], $0xffff;
	v7 =	vmin.f32 v7, $1.000000000e+00;
	(pc) =	sbr.rel @p0 .LBB2_1-.Ltmp0, $4  }
0x2d: {  	v13 =	vmul.f32 $1.699999980e+38, v16;
	v10 =	vadd.f32 $2.000000000e+00, v7;
	v12 =	vmax.f32 v12, $-1.000000000e+00;
	v2 =	vmovc v15  }
0x2e: {  	v15 =	vand.u32 $0x80000000, v0;
	v0 =	vmovc v5;
	v7 =	vand.u32 $0x7FFFFFFF, v2;
	v12 =	vmin.f32 v12, $1.000000000e+00  }
0x2f: {  	s6 =	sshra.s32 s5, $0x2;
	v14 =	vxor.u32 v14, v15;
	v15 =	vmax.f32 v13, $-1.000000000e+00;
	v12 =	vadd.f32 v12, v10  }
0x30: {  	s5 =	sadd.s32 $0x40, s5;
	v10 =	vand.u32 $0x7FFFFFFF, v1;
	v13 =	vmul.f32 $1.699999980e+38, v14;
	v14 =	vmin.f32 v15, $1.000000000e+00;
	v5 =	vld [tilespmem:s6+$0x2780]  }
0x31: {  	_ =	sdelay $0x1  }
0x32: {  	v15 =	vld [tilespmem:s6+$0x31D0]  }
0x33: {  	v9 =	vxor.u32 v9, v11;
	v48 =	vld [tilespmem:s6+$0x3C20]  }
0x34: {  	v4 =	vand.u32 $0x80000000, v4;
	v12 =	vadd.f32 v14, v12;
	v6 =	vld.idx.msk [tilespmem:v6+s4+$0x0], $0xffff;
	v0 =	vand.u32 $0x80000000, v0  }
0x35: {  	v7 =	vld.idx.msk [tilespmem:v7+s4+$0x0], $0xffff;
	v2 =	vand.u32 $0x80000000, v2;
	v1 =	vand.u32 $0x80000000, v1;
	v49 =	vand.u32 $0x7FFFFFFF, v5  }
0x36: {  	v10 =	vld.idx.msk [tilespmem:v10+s4+$0x0], $0xffff;
	v47 =	vmul.f32 $1.699999980e+38, v13;
	v9 =	vmul.f32 $1.699999980e+38, v9;
	v4 =	vxor.u32 v8, v4  }
0x37: {  	v4 =	vmul.f32 $1.699999980e+38, v4;
	v12 =	vmin.f32 v12, $1.000000000e+00;
	v50 =	vand.u32 $0x7FFFFFFF, v15  }
0x38: {  	v11 =	vmax.f32 v47, $-1.000000000e+00;
	v9 =	vmul.f32 $1.699999980e+38, v9;
	v3 =	vadd.f32 v12, v3  }
0x39: {  	v11 =	vmin.f32 v11, $1.000000000e+00;
	v4 =	vmul.f32 $1.699999980e+38, v4;
	v51 =	vand.u32 $0x7FFFFFFF, v48  }
0x3a: {  	v56 =	vand.u32 $0x80000000, v5;
	v11 =	vadd.f32 $2.000000000e+00, v11;
	v9 =	vmax.f32 v9, $-1.000000000e+00;
	v52 =	vld.idx.msk [tilespmem:v49+s4+$0x0], $0xffff  }
0x3b: {  	v0 =	vxor.u32 v6, v0;
	v2 =	vxor.u32 v7, v2;
	v1 =	vxor.u32 v10, v1  }
0x3c: {  	v57 =	vand.u32 $0x80000000, v15;
	v58 =	vand.u32 $0x80000000, v48;
	v9 =	vmin.f32 v9, $1.000000000e+00;
	v54 =	vld.idx.msk [tilespmem:v50+s4+$0x0], $0xffff  }
0x3d: {  	v4 =	vmax.f32 v4, $-1.000000000e+00;
	v0 =	vmul.f32 $1.699999980e+38, v0;
	v2 =	vmul.f32 $1.699999980e+38, v2  }
0x3e: {  	v1 =	vmul.f32 $1.699999980e+38, v1;
	v53 =	vadd.f32 v9, v11;
	v4 =	vmin.f32 v4, $1.000000000e+00;
	v55 =	vld.idx.msk [tilespmem:v51+s4+$0x0], $0xffff  }
0x3f: {  	v0 =	vmul.f32 $1.699999980e+38, v0;
	v2 =	vmul.f32 $1.699999980e+38, v2;
	v5 =	vxor.u32 v52, v56  }
0x40: {  	v1 =	vmul.f32 $1.699999980e+38, v1;
	v4 =	vadd.f32 v4, v53;
	v5 =	vmul.f32 $1.699999980e+38, v5  }
0x41: {  	v0 =	vmax.f32 v0, $-1.000000000e+00;
	v2 =	vmax.f32 v2, $-1.000000000e+00;
	v6 =	vxor.u32 v54, v57  }
0x42: {  	v0 =	vmin.f32 v0, $1.000000000e+00;
	v6 =	vmul.f32 $1.699999980e+38, v6;
	v5 =	vmul.f32 $1.699999980e+38, v5  }
0x43: {  	v2 =	vmin.f32 v2, $1.000000000e+00;
	v0 =	vadd.f32 $2.000000000e+00, v0;
	v7 =	vxor.u32 v55, v58  }
0x44: {  	v7 =	vmul.f32 $1.699999980e+38, v7;
	v6 =	vmul.f32 $1.699999980e+38, v6;
	v5 =	vmax.f32 v5, $-1.000000000e+00  }
0x45: {  	v1 =	vmax.f32 v1, $-1.000000000e+00;
	v0 =	vadd.f32 v2, v0;
	v59 =	vmin.f32 v5, $1.000000000e+00  }
0x46: {  	v61 =	vmul.f32 $1.699999980e+38, v7;
	v60 =	vmax.f32 v6, $-1.000000000e+00;
	v2 =	vadd.f32 $2.000000000e+00, v59  }
0x47: {  	v4 =	vmin.f32 v4, $1.000000000e+00;
	v1 =	vmin.f32 v1, $1.000000000e+00;
	v5 =	vmin.f32 v60, $1.000000000e+00  }
0x48: {  	v0 =	vadd.f32 v1, v0;
	v63 =	vmax.f32 v61, $-1.000000000e+00;
	v62 =	vadd.f32 v5, v2  }
0x49: {  	v3 =	vadd.f32 v4, v3;
	v2 =	vmin.f32 v63, $1.000000000e+00  }
0x4a: {  	v0 =	vmin.f32 v0, $1.000000000e+00;
	v1 =	vadd.f32 v2, v62  }
0x4b: {  	v0 =	vadd.f32 v0, v3  }
0x4c: {  	v1 =	vmin.f32 v1, $1.000000000e+00  }
0x4d: {  	v0 =	vadd.f32 v1, v0  }
0x4e: {  	s31 =	sshll.u32 s3, $0x7  }
0x4f: {  	s5 =	simm.s32 $0x4680;
	s4 =	sadd.s32 s31, s2;
	[tilespmem:$0x4680] =	vst v0  }
0x50: {  	[spmem:s4] =	stream.linear.scatter [tilespmem:s5], [sflag:$0x3], $0x80, $0x38;
	[tilespmem:$0x4F90] =	vst v63  }
0x51: {  	s4 =	simm.s32 $0x3  }
0x52: {  	_ =	swait.ge [sflag:s4], $0x80  }
0x53: {  	[sflag:s4] =	ssyncset.done $0x0  }
0x54: {  	[sflag:s4] =	ssyncadd.s32 $0xFFFFFF80  }
0x55: {  	p0 =	sne.s32 s3, $0x0;
	[bflag:$0x0] =	sbarrier.arrive $0xFFFF  }
0x56: {  	_ =	sfence.sel @p0 $0x180000  }
0x57: {  	[bflag:$0x0] =	sbarrier.arrive @p0 $0xFFFF  }
0x58: {  	_ =	strace @p0 $0x90000047  }
0x59: {  	[bflag:$0x2] =	sbarrier.arrive @p0 $0xFFFF  }
0x5a: {  	_ =	shalt @p0  }
.LBB2_3:
0x5b: {  	s3 =	simm.s32 $0x4710  }
0x5c: {  	[tilespmem:s3], [sflag:$0x3] =	stream.linear.gather [spmem:s2], $0x800, $0x38;
	[tilespmem:$0x4F90] =	vst v63  }
0x5d: {  	_ =	swait.ge [sflag:s4], $0x800  }
0x5e: {  	[sflag:s4] =	ssyncset.done $0x0  }
0x5f: {  	[sflag:s4] =	ssyncadd.s32 $0xFFFFF800  }
0x60: {  	v0 =	vld [tilespmem:$0x4710];
	_ =	sdelay $0x1  }
0x61: {  	v1 =	vld [tilespmem:$0x4790];
	_ =	sdelay $0x1  }
0x62: {  	v2 =	vld [tilespmem:$0x4810]  }
0x63: {  	v0 =	vadd.f32 $0.0e+00, v0  }
0x64: {  	v3 =	vld [tilespmem:$0x4890]  }
0x65: {  	v0 =	vadd.f32 v1, v0  }
0x66: {  	v48 =	vld [tilespmem:$0x4910]  }
0x67: {  	v0 =	vadd.f32 v2, v0  }
0x68: {  	v49 =	vld [tilespmem:$0x4990]  }
0x69: {  	v0 =	vadd.f32 v3, v0  }
0x6a: {  	v50 =	vld [tilespmem:$0x4A10]  }
0x6b: {  	v0 =	vadd.f32 v48, v0  }
0x6c: {  	v51 =	vld [tilespmem:$0x4A90]  }
0x6d: {  	v0 =	vadd.f32 v49, v0  }
0x6e: {  	v52 =	vld [tilespmem:$0x4B10]  }
0x6f: {  	v0 =	vadd.f32 v50, v0  }
0x70: {  	v53 =	vld [tilespmem:$0x4B90]  }
0x71: {  	v0 =	vadd.f32 v51, v0  }
0x72: {  	v54 =	vld [tilespmem:$0x4C10]  }
0x73: {  	v0 =	vadd.f32 v52, v0  }
0x74: {  	v55 =	vld [tilespmem:$0x4C90]  }
0x75: {  	v0 =	vadd.f32 v53, v0  }
0x76: {  	v56 =	vld [tilespmem:$0x4D10]  }
0x77: {  	v0 =	vadd.f32 v54, v0  }
0x78: {  	v57 =	vld [tilespmem:$0x4D90]  }
0x79: {  	v0 =	vadd.f32 v55, v0  }
0x7a: {  	v58 =	vld [tilespmem:$0x4E10]  }
0x7b: {  	v0 =	vadd.f32 v56, v0  }
0x7c: {  	v59 =	vld [tilespmem:$0x4E90]  }
0x7d: {  	v0 =	vadd.f32 v57, v0;
	_ =	sdelay $0x1  }
0x7e: {  	v0 =	vadd.f32 v58, v0;
	_ =	sdelay $0x1  }
0x7f: {  	v0 =	vadd.f32 v59, v0;
	_ =	sdelay $0x1  }
0x80: {  	(xrf2) =	vadd.scan.msk.f32 $0xffff, v0;
	_ =	sdelay $0x9  }
0x81: {  	v0, _, _ =	vpop (xrf2)  }
0x82: {  	(v2sf) =	vpush v0, $0xF;
	_ =	sdelay $0xe  }
0x83: {  	s29 =	spop (v2sf)  }
0x84: {  	s2 =	sadd.f32 $-4.223900000e+04, s29  }
0x85: {  	v62 =	vimm.f32 $1.000000000e+00  }
0x86: {  	v2 =	vand.u32 $0x7FFFFFFF, v62;
	v60 =	vmov s2  }
0x87: {  	v61 =	vand.u32 $0x80000000, v60;
	vm0 =	vlt.f32 v60, $0.0e+00;
	vm1 =	vgt.f32 v60, $0.0e+00  }
0x88: {  	v63 =	vor.u32 v61, v2;
	vm0 =	vmor vm1, vm0  }
0x89: {  	v0 =	vnsel vm0, s2, v63  }
0x8a: {  	[tilespmem:$0x4F10] =	vst v0  }
0x8b: {  	[tilespmem:$0x4F20] =	vst v0  }
0x8c: {  	[tilespmem:$0x4F30] =	vst v0  }
0x8d: {  	[tilespmem:$0x4F40] =	vst v0  }
0x8e: {  	[tilespmem:$0x4F50] =	vst v0  }
0x8f: {  	[tilespmem:$0x4F60] =	vst v0  }
0x90: {  	[tilespmem:$0x4F70] =	vst v0  }
0x91: {  	s30 =	simm.s32 $0x0;
	s31 =	simm.s32 $0x4F10;
	[tilespmem:$0x4F80] =	vst v0  }
0x92: {  	[hbm4b:s1+s30] =	stream.linear.scatter [tilespmem:s31], [sflag:$0x3], $0x80, $0x38;
	[tilespmem:$0x4F90] =	vst v63  }
0x93: {  	_ =	swait.ge [sflag:s4], $0x80  }
0x94: {  	[sflag:s4] =	ssyncset.done $0x0  }
0x95: {  	[sflag:s4] =	ssyncadd.s32 $0xFFFFFF80  }
0x96: {  	_ =	sfence.sel $0x180000  }
0x97: {  	[bflag:$0x0] =	sbarrier.arrive $0xFFFF  }
0x98: {  	_ =	strace $0x90000047  }
0x99: {  	s0 =	sadd.s32 $0x100000, s0;
	[bflag:$0x2] =	sbarrier.arrive $0xFFFF  }
0x9a: {  	[sflag:s0] =	ssyncadd.tile.s32 $0x1;
	_ =	shalt  }
.Lfunc_end2:
_tile_overlayer_lowered:
.L_overlay_start_2:
0x9b: {  	(tag) =	ssettag $0x2  }
0x9c: {  	s0 =	rddreg [dreg:$0x0];
	s2 =	stileid.u32  }
0x9d: {  	s1 =	rddreg [dreg:$0x1];
	p0 =	sne.s32 s2, $0x0  }
0x9e: {  	s3 =	rddreg [dreg:$0x2];
	[bflag:$0x3] =	sbarrier.arrive $0xFFFF;
	s2 =	simm.s32 @!p0 $0x1C03  }
0x9f: {  	[timem:s3], [sflag:s2] =	dma.local @!p0 [hbm:s0], s1  }
0xa0: {  	s0 =	simm.s32 @!p0 $0x3  }
0xa1: {  	_ =	swait.ge @!p0 [sflag:s0], s1  }
0xa2: {  	s1 =	ssub.s32 @!p0 $0x0, s1;
	[sflag:s0] =	ssyncset.done @!p0 $0x0  }
0xa3: {  	[sflag:s0] =	ssyncadd.s32 @!p0 s1  }
0xa4: {  	[bflag:$0x3] =	sbarrier.arrive $0xFFFF  }
0xa5: {  	_ =	shalt  }

</sc_bundles>
